<compile_context>
chip_gen: v7x
topology: tpu7x:2x2x1
jax: 0.10.2.dev20260603
libtpu: 0.0.44.dev20260713+nightly
codegen_flags: <defaults>
</compile_context>

<pallas_src>
import functools

import jax
import jax.numpy as jnp
from jax import lax
from jax.experimental import pallas as pl
from jax.experimental.pallas import tpu as pltpu
from jax.experimental.pallas import tpu_sc as plsc

_N_E = 512
_E_DIM = 32
_BETA = 0.25
_N_TOK = 131072


_BZ = 4096
_NB = _N_TOK // _BZ


def _rowsum32(t):
    u = ((t[:, 0:8] + t[:, 8:16]) + t[:, 16:24]) + t[:, 24:32]
    v = u[:, 0:4] + u[:, 4:8]
    w = v[:, 0:2] + v[:, 2:4]
    return w[:, 0:1] + w[:, 1:2]


def _tc_body(z_ref, emb_ref, idx_ref, acc_ref, en_s):
    z = z_ref[...]
    mm = lax.dot_general(z, emb_ref[...], (((1,), (1,)), ((), ())),
                         preferred_element_type=jnp.float32,
                         precision="default")
    zn = _rowsum32(z * z)

    @pl.when(pl.program_id(0) == 0)
    def _():
        emb = emb_ref[...]
        en_s[...] = _rowsum32(emb * emb).reshape(1, _N_E)

    en = en_s[...]
    d = (zn + en) - 2.0 * mm
    m = jnp.min(d, axis=1, keepdims=True)
    col = lax.broadcasted_iota(jnp.int32, (_BZ, _N_E), 1)
    idx = jnp.min(jnp.where(d == m, col, _N_E), axis=1)
    idx_ref[0, 0, :] = idx.astype(jnp.int32)
    acc_ref[0] = jnp.broadcast_to(jnp.sum(m).reshape(1, 1), (8, 128))


_tc_call = pl.pallas_call(
    _tc_body,
    grid=(_NB,),
    in_specs=[
        pl.BlockSpec((_BZ, _E_DIM), lambda i: (i, 0)),
        pl.BlockSpec((_N_E, _E_DIM), lambda i: (0, 0)),
    ],
    out_specs=[
        pl.BlockSpec((1, 1, _BZ), lambda i: (i, 0, 0)),
        pl.BlockSpec((1, 8, 128), lambda i: (i, 0, 0)),
    ],
    out_shape=[
        jax.ShapeDtypeStruct((_NB, 1, _BZ), jnp.int32),
        jax.ShapeDtypeStruct((_NB, 8, 128), jnp.float32),
    ],
    scratch_shapes=[
        pltpu.VMEM((1, _N_E), jnp.float32),
    ],
    compiler_params=pltpu.CompilerParams(
        dimension_semantics=("arbitrary",)),
)


_NC = 2
_NS = 16
_NW = _NC * _NS
_BPW = _N_TOK // _NW
_CH = 1024
_NCH = _BPW // _CH


def _sc_gather_body(emb_hbm, idx_hbm, out_hbm, idx_v, buf_a, buf_b, sem_a,
                    sem_b, osem):
    wid = lax.axis_index("s") * _NC + lax.axis_index("c")
    base = wid * _BPW
    bufs = (buf_a, buf_b)
    sems = (sem_a, sem_b)
    pltpu.sync_copy(idx_hbm.at[pl.ds(base, _BPW)], idx_v)
    gathers = [pltpu.async_copy(emb_hbm.at[idx_v.at[pl.ds(0, _CH)]],
                                bufs[0], sems[0])]
    writes = [None, None]
    for c in range(_NCH):
        b = c % 2
        nb = (c + 1) % 2
        if c + 1 < _NCH:
            off = (c + 1) * _CH
            if writes[nb] is not None:
                writes[nb].wait()
                writes[nb] = None
            gathers.append(
                pltpu.async_copy(emb_hbm.at[idx_v.at[pl.ds(off, _CH)]],
                                 bufs[nb], sems[nb]))
        gathers[c].wait()
        writes[b] = pltpu.async_copy(bufs[b],
                                     out_hbm.at[pl.ds(base + c * _CH, _CH)],
                                     osem)
    for w in writes:
        if w is not None:
            w.wait()


_sc_gather = pl.kernel(
    _sc_gather_body,
    mesh=plsc.VectorSubcoreMesh(core_axis_name="c", subcore_axis_name="s"),
    out_type=jax.ShapeDtypeStruct((_N_TOK, _E_DIM), jnp.float32),
    compiler_params=pltpu.CompilerParams(use_tc_tiling_on_sc=False),
    scratch_types=[
        pltpu.VMEM((_BPW,), jnp.int32),
        pltpu.VMEM((_CH, _E_DIM), jnp.float32),
        pltpu.VMEM((_CH, _E_DIM), jnp.float32),
        pltpu.SemaphoreType.DMA,
        pltpu.SemaphoreType.DMA,
        pltpu.SemaphoreType.DMA,
    ],
)


def kernel(z, emb):
    idx3, acc = _tc_call(z, emb)
    idx = idx3.reshape(_N_TOK)
    z_q = _sc_gather(emb, idx)
    loss = jnp.sum(acc[:, 0, 0]) * ((1.0 + _BETA) / (_N_TOK * _E_DIM))
    return (z_q, loss)

# --- scband reference (transcript-rebuilt; emitter-appended) ---
"""Pipeline reference for scband-audio-multi-text-62594853372133 (READ-ONLY COPY).

The authoritative reference and input builder live on the scoring server;
editing this copy changes nothing except your own understanding.
"""

import jax, jax.numpy as jnp
import numpy as np

N_E = 512
E_DIM = 32
BETA = 0.25
N_TOK = 131072

def setup_inputs(seed: int = 0) -> dict:
    key = jax.random.key(seed)
    k1, k2 = jax.random.split(key)
    z = jax.random.normal(k1, (N_TOK, E_DIM), dtype=jnp.float32)
    # nn.Embedding weight initialized uniform(-1/n_e, 1/n_e)
    emb = jax.random.uniform(k2, (N_E, E_DIM), minval=-1.0 / N_E, maxval=1.0 / N_E, dtype=jnp.float32)
    return {"z": z, "emb": emb}

def reference(z, emb):
    # d = ||z||^2 + ||e||^2 - 2 z e^T  -> (N, n_e)
    d = (jnp.sum(z ** 2, axis=1, keepdims=True)
         + jnp.sum(emb ** 2, axis=1)
         - 2.0 * jnp.matmul(z, emb.T))
    min_encoding_indices = jnp.argmin(d, axis=1)
    # one-hot scatter, as in torch scatter_(1, idx, 1)
    min_encodings = jnp.zeros((z.shape[0], N_E), dtype=z.dtype).at[
        jnp.arange(z.shape[0]), min_encoding_indices].set(1.0)
    z_q = jnp.matmul(min_encodings, emb).reshape(z.shape)
    sg = jax.lax.stop_gradient
    loss = jnp.mean((sg(z) - z_q) ** 2) + BETA * jnp.mean((z - sg(z_q)) ** 2)
    z_q = z + sg(z_q - z)  # straight-through estimator
    return (z_q, loss)

if __name__ == "__main__":
    import jax
    _d = setup_inputs()
    print(jax.jit(kernel)(*tuple(_d.values())))

</pallas_src>

<mosaic_0001>
#map = affine_map<(d0, d1) -> (0, 0)>
#map1 = affine_map<(d0, d1) -> (0)>
module attributes {stable_mosaic.version = 14 : i64} {
  func.func @_sc_gather_body(%arg0: i32, %arg1: i32, %arg2: memref<512x32xf32, #tpu.memory_space<hbm>>, %arg3: memref<131072xi32, #tpu.memory_space<hbm>>, %arg4: memref<131072x32xf32, #tpu.memory_space<hbm>>, %arg5: memref<4096xi32, #tpu.memory_space<vmem>>, %arg6: memref<1024x32xf32, #tpu.memory_space<vmem>>, %arg7: memref<1024x32xf32, #tpu.memory_space<vmem>>, %arg8: memref<!tpu.dma_semaphore, #tpu.memory_space<semaphore_mem>>, %arg9: memref<!tpu.dma_semaphore, #tpu.memory_space<semaphore_mem>>, %arg10: memref<!tpu.dma_semaphore, #tpu.memory_space<semaphore_mem>>) attributes {dimension_semantics = [#tpu.dimension_semantics<core_parallel>, #tpu.dimension_semantics<subcore_parallel>], iteration_bounds = array<i64: 2, 16>, scalar_prefetch = 0 : i64, scratch_operands = 6 : i64, tpu.core_type = #tpu.core_type<sc_vector_subcore>, window_params = [{transform_indices = #map}, {transform_indices = #map1}, {transform_indices = #map}]} {
    %mul3A = arith.constant 2 : i32
    %mul3A_0 = arith.muli %arg1, %mul3A : i32
    %add3A = arith.addi %mul3A_0, %arg0 : i32
    %mul3A_1 = arith.constant 4096 : i32
    %mul3A_2 = arith.muli %add3A, %mul3A_1 : i32
    "tpu.region"() ({
      %run_scoped3A = tpu.sem_alloc : memref<!tpu.dma_semaphore, #tpu.memory_space<semaphore_mem>>
      %dma_start3A_81 = tpu.memref_slice %arg3[%mul3A_2] : memref<131072xi32, #tpu.memory_space<hbm>> -> memref<4096xi32, #tpu.memory_space<hbm>>
      %dma_start3A_82 = tpu.memref_slice %arg3[%mul3A_2] : memref<131072xi32, #tpu.memory_space<hbm>> -> memref<4096xi32, #tpu.memory_space<hbm>>
      tpu.enqueue_dma source(%dma_start3A_82 : memref<4096xi32, #tpu.memory_space<hbm>>) target(%arg5 : memref<4096xi32, #tpu.memory_space<vmem>>) target_semaphore(%run_scoped3A : memref<!tpu.dma_semaphore, #tpu.memory_space<semaphore_mem>>)
      %dma_wait3A_83 = tpu.memref_slice %arg3[%mul3A_2] : memref<131072xi32, #tpu.memory_space<hbm>> -> memref<4096xi32, #tpu.memory_space<hbm>>
      %dma_wait3A_84 = tpu.memref_slice %arg3[%mul3A_2] : memref<131072xi32, #tpu.memory_space<hbm>> -> memref<4096xi32, #tpu.memory_space<hbm>>
      tpu.wait_dma2 semaphore(%run_scoped3A : memref<!tpu.dma_semaphore, #tpu.memory_space<semaphore_mem>>) src(%dma_wait3A_84 : memref<4096xi32, #tpu.memory_space<hbm>>) dst(%arg5 : memref<4096xi32, #tpu.memory_space<vmem>>)
      tpu.yield
    }) : () -> ()
    %dma_start3A = arith.constant 0 : i32
    %dma_start3A_3 = tpu.memref_slice %arg5[%dma_start3A] : memref<4096xi32, #tpu.memory_space<vmem>> -> memref<1024xi32, #tpu.memory_space<vmem>>
    %dma_start3A_4 = arith.constant 0 : i32
    %dma_start3A_5 = arith.constant 0 : i32
    %dma_start3A_6 = tpu.memref_slice %arg2[%dma_start3A_4, %dma_start3A_5] : memref<512x32xf32, #tpu.memory_space<hbm>> -> memref<512x32xf32, #tpu.memory_space<hbm>>
    tpu.enqueue_indirect_dma source(%dma_start3A_6 : memref<512x32xf32, #tpu.memory_space<hbm>>) target(%arg6 : memref<1024x32xf32, #tpu.memory_space<vmem>>) offsets(%dma_start3A_3 : memref<1024xi32, #tpu.memory_space<vmem>>) semaphore(%arg8 : memref<!tpu.dma_semaphore, #tpu.memory_space<semaphore_mem>>)
    %dma_start3A_7 = arith.constant 1024 : i32
    %dma_start3A_8 = tpu.memref_slice %arg5[%dma_start3A_7] : memref<4096xi32, #tpu.memory_space<vmem>> -> memref<1024xi32, #tpu.memory_space<vmem>>
    %dma_start3A_9 = arith.constant 0 : i32
    %dma_start3A_10 = arith.constant 0 : i32
    %dma_start3A_11 = tpu.memref_slice %arg2[%dma_start3A_9, %dma_start3A_10] : memref<512x32xf32, #tpu.memory_space<hbm>> -> memref<512x32xf32, #tpu.memory_space<hbm>>
    tpu.enqueue_indirect_dma source(%dma_start3A_11 : memref<512x32xf32, #tpu.memory_space<hbm>>) target(%arg7 : memref<1024x32xf32, #tpu.memory_space<vmem>>) offsets(%dma_start3A_8 : memref<1024xi32, #tpu.memory_space<vmem>>) semaphore(%arg9 : memref<!tpu.dma_semaphore, #tpu.memory_space<semaphore_mem>>)
    %dma_wait3A = arith.constant 0 : i32
    %dma_wait3A_12 = tpu.memref_slice %arg5[%dma_wait3A] : memref<4096xi32, #tpu.memory_space<vmem>> -> memref<1024xi32, #tpu.memory_space<vmem>>
    %dma_wait3A_13 = arith.constant 0 : i32
    %dma_wait3A_14 = arith.constant 0 : i32
    %dma_wait3A_15 = tpu.memref_slice %arg2[%dma_wait3A_13, %dma_wait3A_14] : memref<512x32xf32, #tpu.memory_space<hbm>> -> memref<512x32xf32, #tpu.memory_space<hbm>>
    tpu.wait_indirect_dma semaphore(%arg8 : memref<!tpu.dma_semaphore, #tpu.memory_space<semaphore_mem>>) src(%dma_wait3A_15 : memref<512x32xf32, #tpu.memory_space<hbm>>) dst(%arg6 : memref<1024x32xf32, #tpu.memory_space<vmem>>)
    %add3A_16 = arith.constant 0 : i32
    %add3A_17 = arith.addi %mul3A_2, %add3A_16 : i32
    %dma_start3A_18 = arith.constant 0 : i32
    %dma_start3A_19 = tpu.memref_slice %arg4[%add3A_17, %dma_start3A_18] : memref<131072x32xf32, #tpu.memory_space<hbm>> -> memref<1024x32xf32, #tpu.memory_space<hbm>>
    %dma_start3A_20 = arith.constant 0 : i32
    %dma_start3A_21 = tpu.memref_slice %arg4[%add3A_17, %dma_start3A_20] : memref<131072x32xf32, #tpu.memory_space<hbm>> -> memref<1024x32xf32, #tpu.memory_space<hbm>>
    tpu.enqueue_dma source(%arg6 : memref<1024x32xf32, #tpu.memory_space<vmem>>) target(%dma_start3A_21 : memref<1024x32xf32, #tpu.memory_space<hbm>>) target_semaphore(%arg10 : memref<!tpu.dma_semaphore, #tpu.memory_space<semaphore_mem>>)
    %dma_wait3A_22 = arith.constant 0 : i32
    %dma_wait3A_23 = tpu.memref_slice %arg4[%add3A_17, %dma_wait3A_22] : memref<131072x32xf32, #tpu.memory_space<hbm>> -> memref<1024x32xf32, #tpu.memory_space<hbm>>
    %dma_wait3A_24 = arith.constant 0 : i32
    %dma_wait3A_25 = tpu.memref_slice %arg4[%add3A_17, %dma_wait3A_24] : memref<131072x32xf32, #tpu.memory_space<hbm>> -> memref<1024x32xf32, #tpu.memory_space<hbm>>
    tpu.wait_dma2 semaphore(%arg10 : memref<!tpu.dma_semaphore, #tpu.memory_space<semaphore_mem>>) src(%arg6 : memref<1024x32xf32, #tpu.memory_space<vmem>>) dst(%dma_wait3A_25 : memref<1024x32xf32, #tpu.memory_space<hbm>>)
    %dma_start3A_26 = arith.constant 2048 : i32
    %dma_start3A_27 = tpu.memref_slice %arg5[%dma_start3A_26] : memref<4096xi32, #tpu.memory_space<vmem>> -> memref<1024xi32, #tpu.memory_space<vmem>>
    %dma_start3A_28 = arith.constant 0 : i32
    %dma_start3A_29 = arith.constant 0 : i32
    %dma_start3A_30 = tpu.memref_slice %arg2[%dma_start3A_28, %dma_start3A_29] : memref<512x32xf32, #tpu.memory_space<hbm>> -> memref<512x32xf32, #tpu.memory_space<hbm>>
    tpu.enqueue_indirect_dma source(%dma_start3A_30 : memref<512x32xf32, #tpu.memory_space<hbm>>) target(%arg6 : memref<1024x32xf32, #tpu.memory_space<vmem>>) offsets(%dma_start3A_27 : memref<1024xi32, #tpu.memory_space<vmem>>) semaphore(%arg8 : memref<!tpu.dma_semaphore, #tpu.memory_space<semaphore_mem>>)
    %dma_wait3A_31 = arith.constant 1024 : i32
    %dma_wait3A_32 = tpu.memref_slice %arg5[%dma_wait3A_31] : memref<4096xi32, #tpu.memory_space<vmem>> -> memref<1024xi32, #tpu.memory_space<vmem>>
    %dma_wait3A_33 = arith.constant 0 : i32
    %dma_wait3A_34 = arith.constant 0 : i32
    %dma_wait3A_35 = tpu.memref_slice %arg2[%dma_wait3A_33, %dma_wait3A_34] : memref<512x32xf32, #tpu.memory_space<hbm>> -> memref<512x32xf32, #tpu.memory_space<hbm>>
    tpu.wait_indirect_dma semaphore(%arg9 : memref<!tpu.dma_semaphore, #tpu.memory_space<semaphore_mem>>) src(%dma_wait3A_35 : memref<512x32xf32, #tpu.memory_space<hbm>>) dst(%arg7 : memref<1024x32xf32, #tpu.memory_space<vmem>>)
    %add3A_36 = arith.constant 1024 : i32
    %add3A_37 = arith.addi %mul3A_2, %add3A_36 : i32
    %dma_start3A_38 = arith.constant 0 : i32
    %dma_start3A_39 = tpu.memref_slice %arg4[%add3A_37, %dma_start3A_38] : memref<131072x32xf32, #tpu.memory_space<hbm>> -> memref<1024x32xf32, #tpu.memory_space<hbm>>
    %dma_start3A_40 = arith.constant 0 : i32
    %dma_start3A_41 = tpu.memref_slice %arg4[%add3A_37, %dma_start3A_40] : memref<131072x32xf32, #tpu.memory_space<hbm>> -> memref<1024x32xf32, #tpu.memory_space<hbm>>
    tpu.enqueue_dma source(%arg7 : memref<1024x32xf32, #tpu.memory_space<vmem>>) target(%dma_start3A_41 : memref<1024x32xf32, #tpu.memory_space<hbm>>) target_semaphore(%arg10 : memref<!tpu.dma_semaphore, #tpu.memory_space<semaphore_mem>>)
    %dma_wait3A_42 = arith.constant 0 : i32
    %dma_wait3A_43 = tpu.memref_slice %arg4[%add3A_37, %dma_wait3A_42] : memref<131072x32xf32, #tpu.memory_space<hbm>> -> memref<1024x32xf32, #tpu.memory_space<hbm>>
    %dma_wait3A_44 = arith.constant 0 : i32
    %dma_wait3A_45 = tpu.memref_slice %arg4[%add3A_37, %dma_wait3A_44] : memref<131072x32xf32, #tpu.memory_space<hbm>> -> memref<1024x32xf32, #tpu.memory_space<hbm>>
    tpu.wait_dma2 semaphore(%arg10 : memref<!tpu.dma_semaphore, #tpu.memory_space<semaphore_mem>>) src(%arg7 : memref<1024x32xf32, #tpu.memory_space<vmem>>) dst(%dma_wait3A_45 : memref<1024x32xf32, #tpu.memory_space<hbm>>)
    %dma_start3A_46 = arith.constant 3072 : i32
    %dma_start3A_47 = tpu.memref_slice %arg5[%dma_start3A_46] : memref<4096xi32, #tpu.memory_space<vmem>> -> memref<1024xi32, #tpu.memory_space<vmem>>
    %dma_start3A_48 = arith.constant 0 : i32
    %dma_start3A_49 = arith.constant 0 : i32
    %dma_start3A_50 = tpu.memref_slice %arg2[%dma_start3A_48, %dma_start3A_49] : memref<512x32xf32, #tpu.memory_space<hbm>> -> memref<512x32xf32, #tpu.memory_space<hbm>>
    tpu.enqueue_indirect_dma source(%dma_start3A_50 : memref<512x32xf32, #tpu.memory_space<hbm>>) target(%arg7 : memref<1024x32xf32, #tpu.memory_space<vmem>>) offsets(%dma_start3A_47 : memref<1024xi32, #tpu.memory_space<vmem>>) semaphore(%arg9 : memref<!tpu.dma_semaphore, #tpu.memory_space<semaphore_mem>>)
    %dma_wait3A_51 = arith.constant 2048 : i32
    %dma_wait3A_52 = tpu.memref_slice %arg5[%dma_wait3A_51] : memref<4096xi32, #tpu.memory_space<vmem>> -> memref<1024xi32, #tpu.memory_space<vmem>>
    %dma_wait3A_53 = arith.constant 0 : i32
    %dma_wait3A_54 = arith.constant 0 : i32
    %dma_wait3A_55 = tpu.memref_slice %arg2[%dma_wait3A_53, %dma_wait3A_54] : memref<512x32xf32, #tpu.memory_space<hbm>> -> memref<512x32xf32, #tpu.memory_space<hbm>>
    tpu.wait_indirect_dma semaphore(%arg8 : memref<!tpu.dma_semaphore, #tpu.memory_space<semaphore_mem>>) src(%dma_wait3A_55 : memref<512x32xf32, #tpu.memory_space<hbm>>) dst(%arg6 : memref<1024x32xf32, #tpu.memory_space<vmem>>)
    %add3A_56 = arith.constant 2048 : i32
    %add3A_57 = arith.addi %mul3A_2, %add3A_56 : i32
    %dma_start3A_58 = arith.constant 0 : i32
    %dma_start3A_59 = tpu.memref_slice %arg4[%add3A_57, %dma_start3A_58] : memref<131072x32xf32, #tpu.memory_space<hbm>> -> memref<1024x32xf32, #tpu.memory_space<hbm>>
    %dma_start3A_60 = arith.constant 0 : i32
    %dma_start3A_61 = tpu.memref_slice %arg4[%add3A_57, %dma_start3A_60] : memref<131072x32xf32, #tpu.memory_space<hbm>> -> memref<1024x32xf32, #tpu.memory_space<hbm>>
    tpu.enqueue_dma source(%arg6 : memref<1024x32xf32, #tpu.memory_space<vmem>>) target(%dma_start3A_61 : memref<1024x32xf32, #tpu.memory_space<hbm>>) target_semaphore(%arg10 : memref<!tpu.dma_semaphore, #tpu.memory_space<semaphore_mem>>)
    %dma_wait3A_62 = arith.constant 3072 : i32
    %dma_wait3A_63 = tpu.memref_slice %arg5[%dma_wait3A_62] : memref<4096xi32, #tpu.memory_space<vmem>> -> memref<1024xi32, #tpu.memory_space<vmem>>
    %dma_wait3A_64 = arith.constant 0 : i32
    %dma_wait3A_65 = arith.constant 0 : i32
    %dma_wait3A_66 = tpu.memref_slice %arg2[%dma_wait3A_64, %dma_wait3A_65] : memref<512x32xf32, #tpu.memory_space<hbm>> -> memref<512x32xf32, #tpu.memory_space<hbm>>
    tpu.wait_indirect_dma semaphore(%arg9 : memref<!tpu.dma_semaphore, #tpu.memory_space<semaphore_mem>>) src(%dma_wait3A_66 : memref<512x32xf32, #tpu.memory_space<hbm>>) dst(%arg7 : memref<1024x32xf32, #tpu.memory_space<vmem>>)
    %add3A_67 = arith.constant 3072 : i32
    %add3A_68 = arith.addi %mul3A_2, %add3A_67 : i32
    %dma_start3A_69 = arith.constant 0 : i32
    %dma_start3A_70 = tpu.memref_slice %arg4[%add3A_68, %dma_start3A_69] : memref<131072x32xf32, #tpu.memory_space<hbm>> -> memref<1024x32xf32, #tpu.memory_space<hbm>>
    %dma_start3A_71 = arith.constant 0 : i32
    %dma_start3A_72 = tpu.memref_slice %arg4[%add3A_68, %dma_start3A_71] : memref<131072x32xf32, #tpu.memory_space<hbm>> -> memref<1024x32xf32, #tpu.memory_space<hbm>>
    tpu.enqueue_dma source(%arg7 : memref<1024x32xf32, #tpu.memory_space<vmem>>) target(%dma_start3A_72 : memref<1024x32xf32, #tpu.memory_space<hbm>>) target_semaphore(%arg10 : memref<!tpu.dma_semaphore, #tpu.memory_space<semaphore_mem>>)
    %dma_wait3A_73 = arith.constant 0 : i32
    %dma_wait3A_74 = tpu.memref_slice %arg4[%add3A_57, %dma_wait3A_73] : memref<131072x32xf32, #tpu.memory_space<hbm>> -> memref<1024x32xf32, #tpu.memory_space<hbm>>
    %dma_wait3A_75 = arith.constant 0 : i32
    %dma_wait3A_76 = tpu.memref_slice %arg4[%add3A_57, %dma_wait3A_75] : memref<131072x32xf32, #tpu.memory_space<hbm>> -> memref<1024x32xf32, #tpu.memory_space<hbm>>
    tpu.wait_dma2 semaphore(%arg10 : memref<!tpu.dma_semaphore, #tpu.memory_space<semaphore_mem>>) src(%arg6 : memref<1024x32xf32, #tpu.memory_space<vmem>>) dst(%dma_wait3A_76 : memref<1024x32xf32, #tpu.memory_space<hbm>>)
    %dma_wait3A_77 = arith.constant 0 : i32
    %dma_wait3A_78 = tpu.memref_slice %arg4[%add3A_68, %dma_wait3A_77] : memref<131072x32xf32, #tpu.memory_space<hbm>> -> memref<1024x32xf32, #tpu.memory_space<hbm>>
    %dma_wait3A_79 = arith.constant 0 : i32
    %dma_wait3A_80 = tpu.memref_slice %arg4[%add3A_68, %dma_wait3A_79] : memref<131072x32xf32, #tpu.memory_space<hbm>> -> memref<1024x32xf32, #tpu.memory_space<hbm>>
    tpu.wait_dma2 semaphore(%arg10 : memref<!tpu.dma_semaphore, #tpu.memory_space<semaphore_mem>>) src(%arg7 : memref<1024x32xf32, #tpu.memory_space<vmem>>) dst(%dma_wait3A_80 : memref<1024x32xf32, #tpu.memory_space<hbm>>)
    return
  }
}

module attributes {stable_mosaic.version = 14 : i64} {
  func.func @_tc_body(%arg0: i32, %arg1: memref<4096x32xf32, #tpu.memory_space<vmem>>, %arg2: memref<512x32xf32, #tpu.memory_space<vmem>>, %arg3: memref<1x1x4096xi32, #tpu.memory_space<vmem>>, %arg4: memref<1x8x128xf32, #tpu.memory_space<vmem>>, %arg5: memref<1x512xf32, #tpu.memory_space<vmem>>) attributes {dimension_semantics = [#tpu.dimension_semantics<arbitrary>], iteration_bounds = array<i64: 32>, scalar_prefetch = 0 : i64, scratch_operands = 1 : i64, tpu.core_type = #tpu.core_type<tc>, window_params = [{transform_indices = @transform_0, window_bounds = array<i64: 4096, 32>}, {pipeline_mode = #tpu.pipeline_mode<synchronous>, transform_indices = @transform_1, window_bounds = array<i64: 512, 32>}, {transform_indices = @transform_2, window_bounds = array<i64: 1, 1, 4096>}, {transform_indices = @transform_3, window_bounds = array<i64: 1, 8, 128>}]} {
    %get3A = arith.constant 0 : index
    %get3A_0 = arith.constant 0 : index
    %get3A_1 = vector.load %arg1[%get3A, %get3A_0] : memref<4096x32xf32, #tpu.memory_space<vmem>>, vector<4096x32xf32>
    %get3A_2 = arith.constant 0 : index
    %get3A_3 = arith.constant 0 : index
    %get3A_4 = vector.load %arg2[%get3A_2, %get3A_3] : memref<512x32xf32, #tpu.memory_space<vmem>>, vector<512x32xf32>
    %dot_general3A = arith.constant dense<0.000000e+00> : vector<4096x512xf32>
    %dot_general3A_5 = tpu.matmul %get3A_1, %get3A_4, %dot_general3A {dimension_numbers = #tpu.dot_dimension_numbers<[1], [1], [0], [0], [0, 0, 1, 0], [], []>, transpose_lhs_hint = false} : vector<4096x32xf32>, vector<512x32xf32>, vector<4096x512xf32> -> vector<4096x512xf32>
    %mul3A = arith.mulf %get3A_1, %get3A_1 : vector<4096x32xf32>
    %slice3A = vector.extract_strided_slice %mul3A {offsets = [0, 0], sizes = [4096, 8], strides = [1, 1]} : vector<4096x32xf32> to vector<4096x8xf32>
    %slice3A_6 = vector.extract_strided_slice %mul3A {offsets = [0, 8], sizes = [4096, 8], strides = [1, 1]} : vector<4096x32xf32> to vector<4096x8xf32>
    %add3A = arith.addf %slice3A, %slice3A_6 : vector<4096x8xf32>
    %slice3A_7 = vector.extract_strided_slice %mul3A {offsets = [0, 16], sizes = [4096, 8], strides = [1, 1]} : vector<4096x32xf32> to vector<4096x8xf32>
    %add3A_8 = arith.addf %add3A, %slice3A_7 : vector<4096x8xf32>
    %slice3A_9 = vector.extract_strided_slice %mul3A {offsets = [0, 24], sizes = [4096, 8], strides = [1, 1]} : vector<4096x32xf32> to vector<4096x8xf32>
    %add3A_10 = arith.addf %add3A_8, %slice3A_9 : vector<4096x8xf32>
    %slice3A_11 = vector.extract_strided_slice %add3A_10 {offsets = [0, 0], sizes = [4096, 4], strides = [1, 1]} : vector<4096x8xf32> to vector<4096x4xf32>
    %slice3A_12 = vector.extract_strided_slice %add3A_10 {offsets = [0, 4], sizes = [4096, 4], strides = [1, 1]} : vector<4096x8xf32> to vector<4096x4xf32>
    %add3A_13 = arith.addf %slice3A_11, %slice3A_12 : vector<4096x4xf32>
    %slice3A_14 = vector.extract_strided_slice %add3A_13 {offsets = [0, 0], sizes = [4096, 2], strides = [1, 1]} : vector<4096x4xf32> to vector<4096x2xf32>
    %slice3A_15 = vector.extract_strided_slice %add3A_13 {offsets = [0, 2], sizes = [4096, 2], strides = [1, 1]} : vector<4096x4xf32> to vector<4096x2xf32>
    %add3A_16 = arith.addf %slice3A_14, %slice3A_15 : vector<4096x2xf32>
    %slice3A_17 = vector.extract_strided_slice %add3A_16 {offsets = [0, 0], sizes = [4096, 1], strides = [1, 1]} : vector<4096x2xf32> to vector<4096x1xf32>
    %slice3A_18 = vector.extract_strided_slice %add3A_16 {offsets = [0, 1], sizes = [4096, 1], strides = [1, 1]} : vector<4096x2xf32> to vector<4096x1xf32>
    %add3A_19 = arith.addf %slice3A_17, %slice3A_18 : vector<4096x1xf32>
    %eq3A = arith.constant 0 : i32
    %eq3A_20 = arith.cmpi eq, %arg0, %eq3A : i32
    %convert_element_type3A = arith.extui %eq3A_20 : i1 to i32
    %cond3A = arith.constant 0 : i32
    %cond3A_21 = arith.cmpi ne, %convert_element_type3A, %cond3A : i32
    scf.if %cond3A_21 {
      %get3A_54 = arith.constant 0 : index
      %get3A_55 = arith.constant 0 : index
      %get3A_56 = vector.load %arg2[%get3A_54, %get3A_55] : memref<512x32xf32, #tpu.memory_space<vmem>>, vector<512x32xf32>
      %mul3A_57 = arith.mulf %get3A_56, %get3A_56 : vector<512x32xf32>
      %slice3A_58 = vector.extract_strided_slice %mul3A_57 {offsets = [0, 0], sizes = [512, 8], strides = [1, 1]} : vector<512x32xf32> to vector<512x8xf32>
      %slice3A_59 = vector.extract_strided_slice %mul3A_57 {offsets = [0, 8], sizes = [512, 8], strides = [1, 1]} : vector<512x32xf32> to vector<512x8xf32>
      %add3A_60 = arith.addf %slice3A_58, %slice3A_59 : vector<512x8xf32>
      %slice3A_61 = vector.extract_strided_slice %mul3A_57 {offsets = [0, 16], sizes = [512, 8], strides = [1, 1]} : vector<512x32xf32> to vector<512x8xf32>
      %add3A_62 = arith.addf %add3A_60, %slice3A_61 : vector<512x8xf32>
      %slice3A_63 = vector.extract_strided_slice %mul3A_57 {offsets = [0, 24], sizes = [512, 8], strides = [1, 1]} : vector<512x32xf32> to vector<512x8xf32>
      %add3A_64 = arith.addf %add3A_62, %slice3A_63 : vector<512x8xf32>
      %slice3A_65 = vector.extract_strided_slice %add3A_64 {offsets = [0, 0], sizes = [512, 4], strides = [1, 1]} : vector<512x8xf32> to vector<512x4xf32>
      %slice3A_66 = vector.extract_strided_slice %add3A_64 {offsets = [0, 4], sizes = [512, 4], strides = [1, 1]} : vector<512x8xf32> to vector<512x4xf32>
      %add3A_67 = arith.addf %slice3A_65, %slice3A_66 : vector<512x4xf32>
      %slice3A_68 = vector.extract_strided_slice %add3A_67 {offsets = [0, 0], sizes = [512, 2], strides = [1, 1]} : vector<512x4xf32> to vector<512x2xf32>
      %slice3A_69 = vector.extract_strided_slice %add3A_67 {offsets = [0, 2], sizes = [512, 2], strides = [1, 1]} : vector<512x4xf32> to vector<512x2xf32>
      %add3A_70 = arith.addf %slice3A_68, %slice3A_69 : vector<512x2xf32>
      %slice3A_71 = vector.extract_strided_slice %add3A_70 {offsets = [0, 0], sizes = [512, 1], strides = [1, 1]} : vector<512x2xf32> to vector<512x1xf32>
      %slice3A_72 = vector.extract_strided_slice %add3A_70 {offsets = [0, 1], sizes = [512, 1], strides = [1, 1]} : vector<512x2xf32> to vector<512x1xf32>
      %add3A_73 = arith.addf %slice3A_71, %slice3A_72 : vector<512x1xf32>
      %reshape3A_74 = vector.shape_cast %add3A_73 : vector<512x1xf32> to vector<1x512xf32>
      %swap3A_75 = arith.constant 0 : index
      %swap3A_76 = arith.constant 0 : index
      %swap3A_77 = vector.load %arg5[%swap3A_75, %swap3A_76] : memref<1x512xf32, #tpu.memory_space<vmem>>, vector<1x512xf32>
      tpu.vector_store %arg5[%swap3A_75, %swap3A_76], %reshape3A_74 {strides = array<i32>} : memref<1x512xf32, #tpu.memory_space<vmem>>, vector<1x512xf32>,
    } else {
    }
    %get3A_22 = arith.constant 0 : index
    %get3A_23 = arith.constant 0 : index
    %get3A_24 = vector.load %arg5[%get3A_22, %get3A_23] : memref<1x512xf32, #tpu.memory_space<vmem>>, vector<1x512xf32>
    %add3A_25 = vector.broadcast %add3A_19 : vector<4096x1xf32> to vector<4096x512xf32>
    %add3A_26 = vector.broadcast %get3A_24 : vector<1x512xf32> to vector<4096x512xf32>
    %add3A_27 = arith.addf %add3A_25, %add3A_26 : vector<4096x512xf32>
    %mul3A_28 = arith.constant 2.000000e+00 : f32
    %mul3A_29 = vector.broadcast %mul3A_28 : f32 to vector<4096x512xf32>
    %mul3A_30 = arith.mulf %mul3A_29, %dot_general3A_5 : vector<4096x512xf32>
    %sub3A = arith.subf %add3A_27, %mul3A_30 : vector<4096x512xf32>
    %reduce_min3A = arith.constant dense<0x7F800000> : vector<4096xf32>
    %reduce_min3A_31 = vector.multi_reduction <minimumf>, %sub3A, %reduce_min3A [1] : vector<4096x512xf32> to vector<4096xf32>
    %broadcast_in_dim3A = vector.shape_cast %reduce_min3A_31 : vector<4096xf32> to vector<4096x1xf32>
    %iota3A = tpu.iota {dimensions = array<i32: 1>} : vector<4096x512xi32>
    %eq3A_32 = vector.broadcast %broadcast_in_dim3A : vector<4096x1xf32> to vector<4096x512xf32>
    %eq3A_33 = arith.cmpf oeq, %sub3A, %eq3A_32 : vector<4096x512xf32>
    %jit3A = arith.constant 512 : i32
    %broadcast_in_dim3A_34 = vector.broadcast %jit3A : i32 to vector<4096x512xi32>
    %select_n3A = arith.select %eq3A_33, %iota3A, %broadcast_in_dim3A_34 : vector<4096x512xi1>, vector<4096x512xi32>
    %reduce_min3A_35 = arith.constant dense<2147483647> : vector<4096xi32>
    %reduce_min3A_36 = vector.multi_reduction <minsi>, %select_n3A, %reduce_min3A_35 [1] : vector<4096x512xi32> to vector<4096xi32>
    %swap3A = arith.constant 0 : index
    %swap3A_37 = arith.constant 0 : index
    %swap3A_38 = arith.constant 0 : index
    %swap3A_39 = vector.load %arg3[%swap3A, %swap3A_37, %swap3A_38] : memref<1x1x4096xi32, #tpu.memory_space<vmem>>, vector<1x1x4096xi32>
    %swap3A_40 = vector.shape_cast %swap3A_39 : vector<1x1x4096xi32> to vector<4096xi32>
    %swap3A_41 = vector.shape_cast %reduce_min3A_36 : vector<4096xi32> to vector<1x1x4096xi32>
    tpu.vector_store %arg3[%swap3A, %swap3A_37, %swap3A_38], %swap3A_41 {strides = array<i32>} : memref<1x1x4096xi32, #tpu.memory_space<vmem>>, vector<1x1x4096xi32>,
    %reduce_sum3A = vector.shape_cast %broadcast_in_dim3A : vector<4096x1xf32> to vector<1x4096x1xf32>
    %reduce_sum3A_42 = arith.constant dense<0.000000e+00> : vector<1xf32>
    %reduce_sum3A_43 = vector.multi_reduction <add>, %reduce_sum3A, %reduce_sum3A_42 [1, 2] : vector<1x4096x1xf32> to vector<1xf32>
    %reduce_sum3A_44 = vector.shape_cast %reduce_sum3A_43 : vector<1xf32> to vector<1x1x1xf32>
    %reduce_sum3A_45 = vector.extract %reduce_sum3A_44[0, 0, 0] : f32 from vector<1x1x1xf32>
    %reshape3A = vector.broadcast %reduce_sum3A_45 : f32 to vector<1x1xf32>
    %broadcast_in_dim3A_46 = vector.shape_cast %reshape3A : vector<1x1xf32> to vector<1x1xf32>
    %broadcast_in_dim3A_47 = vector.broadcast %broadcast_in_dim3A_46 : vector<1x1xf32> to vector<8x128xf32>
    %swap3A_48 = arith.constant 0 : index
    %swap3A_49 = arith.constant 0 : index
    %swap3A_50 = arith.constant 0 : index
    %swap3A_51 = vector.load %arg4[%swap3A_48, %swap3A_49, %swap3A_50] : memref<1x8x128xf32, #tpu.memory_space<vmem>>, vector<1x8x128xf32>
    %swap3A_52 = vector.shape_cast %swap3A_51 : vector<1x8x128xf32> to vector<8x128xf32>
    %swap3A_53 = vector.shape_cast %broadcast_in_dim3A_47 : vector<8x128xf32> to vector<1x8x128xf32>
    tpu.vector_store %arg4[%swap3A_48, %swap3A_49, %swap3A_50], %swap3A_53 {strides = array<i32>} : memref<1x8x128xf32, #tpu.memory_space<vmem>>, vector<1x8x128xf32>,
    return
  }
  func.func @transform_0(%arg0: i32) -> (i32, i32) {
    %c0_i32 = arith.constant 0 : i32
    %c0_i32_0 = arith.constant 0 : i32
    return %arg0, %c0_i32 : i32, i32
  }
  func.func @transform_1(%arg0: i32) -> (i32, i32) {
    %c0_i32 = arith.constant 0 : i32
    %c0_i32_0 = arith.constant 0 : i32
    %c0_i32_1 = arith.constant 0 : i32
    return %c0_i32, %c0_i32_0 : i32, i32
  }
  func.func @transform_2(%arg0: i32) -> (i32, i32, i32) {
    %c0_i32 = arith.constant 0 : i32
    %c0_i32_0 = arith.constant 0 : i32
    %c0_i32_1 = arith.constant 0 : i32
    return %arg0, %c0_i32, %c0_i32_0 : i32, i32, i32
  }
  func.func @transform_3(%arg0: i32) -> (i32, i32, i32) {
    %c0_i32 = arith.constant 0 : i32
    %c0_i32_0 = arith.constant 0 : i32
    %c0_i32_1 = arith.constant 0 : i32
    return %arg0, %c0_i32, %c0_i32_0 : i32, i32, i32
  }
}

</mosaic_0001>

<sc_bundles>
// kernel: kernel.4.cloned.1.call-start
scs
__scs_entry_jumppad:
0x0: {  	(pc) =	sbr.rel $0x88, $3  }
0x1: {  	(tag) =	ssettag $0x0;
	lr =	simm.s32 $0x1  }
0x2: {  	[smem:$0x3F9F] =	sst lr;
	_ =	strace $0xD0000000  }
0x3: {  	_ = 	snop  }
0x4: {  	_ = 	snop  }
0x5: {  	_ = 	snop  }
0x6: {  	_ = 	snop  }
0x7: {  	_ = 	snop  }
__scs_overlays_trampoline_lowered:
0x8: {  	[smem:$0x3FAE] =	sst s0  }
0x9: {  	[smem:$0x3FAF] =	sst s1  }
0xa: {  	[smem:$0x3FB0] =	sst s2  }
0xb: {  	[smem:$0x3FB1] =	sst s3  }
0xc: {  	[smem:$0x3FB2] =	sst s4  }
0xd: {  	[smem:$0x3FB3] =	sst s5  }
0xe: {  	[smem:$0x3FB4] =	sst s6  }
0xf: {  	[smem:$0x3FB5] =	sst s7  }
0x10: {  	[smem:$0x3FB6] =	sst s8  }
0x11: {  	[smem:$0x3FB7] =	sst s9;
	s0 =	simm.s32 @!p0 $0x0  }
0x12: {  	s1 =	sld [smem:$0x3F9D];
	s0 =	simm.s32 @p0 $0x1  }
0x13: {  	[smem:$0x3FB8] =	sst s0;
	s0 =	simm.s32 @!p1 $0x0  }
0x14: {  	s2 =	sld [smem:$0x3F9C];
	s0 =	simm.s32 @p1 $0x1  }
0x15: {  	[smem:$0x3FB9] =	sst s0;
	s0 =	simm.s32 @!p2 $0x0  }
0x16: {  	s3 =	sld [smem:$0x3FDB];
	s0 =	simm.s32 @p2 $0x1  }
0x17: {  	s4 =	simm.s32 $0x1BF5;
	[smem:$0x3FBB] =	sst s0  }
0x18: {  	s0 =	sld [smem:$0x3F9E];
	_ =	swait.ge [sflag:s4], $0x0  }
0x19: {  	s7 =	sld [smem:$0x3F9F]  }
0x1a: {  	s8 =	sadd.s32 $0xFFFFE003, lr  }
0x1b: {  	s9 =	sadd.s32 $0xFFFFFEF7, lr;
	s5 =	simm.s32 $0xFFFFFFFF;
	p2 =	slt.u32 s8, $0xFFFFF086  }
0x1c: {  	p1 =	slt.u32 s9, $0xF7A;
	s5 =	simm.s32 @!p2 $0x0  }
0x1d: {  	s5 =	simm.s32 @p1 $0x1;
	p0 =	seq.s32 s7, s2  }
0x1e: {  	s7 =	smul.u32 @!p0 $0xF7A, s2;
	p2 =	seq.s32 @!p0 s5, $0x0  }
0x1f: {  	s9 =	smul.u32 $0xF7A, s1;
	s8 =	simm.s32 @!p0 $0x1BF5;
	p2 =	por !p2, p0  }
0x20: {  	[sflag:s8] =	ssyncset.s32 @!p0 $0xFFFFF086;
	s6 =	sadd.s32 @!p0 s3, s7;
	s7 =	simm.s32 @!p0 $0x108  }
0x21: {  	s3 =	sadd.s32 s3, s9;
	s6 =	sadd.s32 @!p0 $0x88, s6;
	s7 =	simm.s32 @p2 $0x1082  }
0x22: {  	[simem:s7], [sflag:s8] =	dma.local @!p0 [hbm:s6], $0xF7A  }
0x23: {  	s9 =	sor.u32 $0xD0000000, s2;
	s6 =	simm.s32 $0x108;
	_ =	swait.ge @!p0 [sflag:s8], $0x0  }
0x24: {  	s3 =	sadd.s32 $0x88, s3;
	s6 =	simm.s32 @!p1 $0x1082;
	[sflag:s4] =	ssyncset.s32 $0xFFFFF086  }
0x25: {  	[simem:s6], [sflag:s4] =	dma.local [hbm:s3], $0xF7A  }
0x26: {  	[smem:$0x3F9F] =	sst s1;
	(tag) =	ssettag s2;
	_ =	strace s9  }
0x27: {  	s1 =	sld [smem:$0x3FAF]  }
0x28: {  	s2 =	sld [smem:$0x3FB0]  }
0x29: {  	s4 =	sld [smem:$0x3FB2]  }
0x2a: {  	p0 =	seq.s32 s5, $0x0;
	s5 =	sld [smem:$0x3FB3]  }
0x2b: {  	s6 =	sld [smem:$0x3FB4]  }
0x2c: {  	s7 =	sld [smem:$0x3FB5]  }
0x2d: {  	s3 =	simm.s32 $0x108;
	s8 =	sld [smem:$0x3FB6]  }
0x2e: {  	s3 =	simm.s32 @!p0 $0x1082;
	s9 =	sld [smem:$0x3FB7]  }
0x2f: {  	lr =	sadd.s32 s0, s3;
	s0 =	sld [smem:$0x3FAE]  }
0x30: {  	s3 =	sld [smem:$0x3FB1]  }
0x31: {  	[smem:$0x3FBA] =	sst s10  }
0x32: {  	s10 =	sld [smem:$0x3FB8];
	_ =	sdelay $0x3  }
0x33: {  	p0 =	seq.s32 s10, $0x1;
	s10 =	sld [smem:$0x3FBA];
	_ =	sdelay $0x3  }
0x34: {  	[smem:$0x3FBA] =	sst s10  }
0x35: {  	s10 =	sld [smem:$0x3FB9];
	_ =	sdelay $0x3  }
0x36: {  	p1 =	seq.s32 s10, $0x1;
	s10 =	sld [smem:$0x3FBA];
	_ =	sdelay $0x3  }
0x37: {  	[smem:$0x3FBA] =	sst s10  }
0x38: {  	s10 =	sld [smem:$0x3FBB]  }
0x39: {  	_ = 	snop;
	(pc) =	sbr.ind lr, $3  }
0x3a: {  	_ = 	snop  }
0x3b: {  	_ = 	snop  }
0x3c: {  	p2 =	seq.s32 s10, $0x1;
	s10 =	sld [smem:$0x3FBA]  }
0x3d: {  	_ =	shalt  }
0x3e: {  	_ =	shalt  }
0x3f: {  	_ =	shalt  }
0x40: {  	_ =	shalt  }
0x41: {  	_ =	shalt  }
0x42: {  	_ =	shalt  }
0x43: {  	_ =	shalt  }
0x44: {  	_ =	shalt  }
0x45: {  	_ =	shalt  }
0x46: {  	_ =	shalt  }
0x47: {  	_ =	shalt  }
0x48: {  	_ =	shalt  }
0x49: {  	_ =	shalt  }
0x4a: {  	_ =	shalt  }
0x4b: {  	_ =	shalt  }
0x4c: {  	_ =	shalt  }
0x4d: {  	_ =	shalt  }
0x4e: {  	_ =	shalt  }
0x4f: {  	_ =	shalt  }
0x50: {  	_ =	shalt  }
0x51: {  	_ =	shalt  }
0x52: {  	_ =	shalt  }
0x53: {  	_ =	shalt  }
0x54: {  	_ =	shalt  }
0x55: {  	_ =	shalt  }
0x56: {  	_ =	shalt  }
0x57: {  	_ =	shalt  }
0x58: {  	_ =	shalt  }
0x59: {  	_ =	shalt  }
0x5a: {  	_ =	shalt  }
0x5b: {  	_ =	shalt  }
0x5c: {  	_ =	shalt  }
0x5d: {  	_ =	shalt  }
0x5e: {  	_ =	shalt  }
0x5f: {  	_ =	shalt  }
0x60: {  	_ =	shalt  }
0x61: {  	_ =	shalt  }
0x62: {  	_ =	shalt  }
0x63: {  	_ =	shalt  }
0x64: {  	_ =	shalt  }
0x65: {  	_ =	shalt  }
0x66: {  	_ =	shalt  }
0x67: {  	_ =	shalt  }
0x68: {  	_ =	shalt  }
0x69: {  	_ =	shalt  }
0x6a: {  	_ =	shalt  }
0x6b: {  	_ =	shalt  }
0x6c: {  	_ =	shalt  }
0x6d: {  	_ =	shalt  }
0x6e: {  	_ =	shalt  }
0x6f: {  	_ =	shalt  }
0x70: {  	_ =	shalt  }
0x71: {  	_ =	shalt  }
0x72: {  	_ =	shalt  }
0x73: {  	_ =	shalt  }
0x74: {  	_ =	shalt  }
0x75: {  	_ =	shalt  }
0x76: {  	_ =	shalt  }
0x77: {  	_ =	shalt  }
0x78: {  	_ =	shalt  }
0x79: {  	_ =	shalt  }
0x7a: {  	_ =	shalt  }
0x7b: {  	_ =	shalt  }
0x7c: {  	_ =	shalt  }
0x7d: {  	_ =	shalt  }
0x7e: {  	_ =	shalt  }
0x7f: {  	_ =	shalt  }
0x80: {  	_ =	shalt  }
0x81: {  	_ =	shalt  }
0x82: {  	_ =	shalt  }
0x83: {  	_ =	shalt  }
0x84: {  	_ =	shalt  }
0x85: {  	_ =	shalt  }
0x86: {  	_ =	shalt  }
0x87: {  	_ =	shalt  }
.Lfunc_end0:
.L_simem_size_0:
called_computation_lowered:
.L_overlay_start_0:
0x88: {  	s2 =	sld [smem:$0x3FD9]  }
0x89: {  	s3 =	sld [smem:$0x3FFE];
	_ =	sdelay $0x1  }
0x8a: {  	s1 =	srdreg.scid  }
0x8b: {  	s0 =	sand.u32 $0x1, s1  }
0x8c: {  	s14 =	sshll.u32 s0, $0xA;
	s2 =	sadd.s32 s3, s2  }
0x8d: {  	s2 =	sadd.s32 s2, s14  }
0x8e: {  	[smem:$0x3FC6] =	sst s2  }
0x8f: {  	_ = 	snop  }
0x90: {  	s2 =	sld [smem:$0x3FD0];
	_ =	sdelay $0x2  }
0x91: {  	s15 =	simm.s32 $0xA;
	s4 =	simm.s32 $0x10  }
0x92: {  	[smem:s4], [sflag:s15] =	dma.local [hbm:s2], $0x1  }
0x93: {  	_ =	swait.eq [sflag:s15], $0x1  }
0x94: {  	[sflag:s15] =	ssyncset.done $0x0  }
0x95: {  	[sflag:s15] =	ssyncadd.s32 $0xFFFFFFFF  }
0x96: {  	s16 =	sld [smem:$0x10];
	(tm) =	ssettm $0x1  }
0x97: {  	s17 =	sld [smem:$0x3FFB];
	_ =	sdelay $0x3  }
0x98: {  	_ =	strace s17  }
0x99: {  	s3 =	sld [smem:$0x3FFC];
	_ =	sdelay $0x3  }
0x9a: {  	_ =	strace s3  }
0x9b: {  	s3 =	sld [smem:$0x3FFD];
	_ =	sdelay $0x3  }
0x9c: {  	_ =	strace s3  }
0x9d: {  	_ =	strace $0x8FFFFFFF  }
0x9e: {  	s18 =	sld [smem:$0x3FDB];
	_ =	sdelay $0x1  }
0x9f: {  	s19 =	simm.s32 $_scs_section_size  }
0xa0: {  	s5 =	simm.s32 $_size__tile_overlayer_lowered;
	s6 =	simm.s32 $_tile_overlayer_lowered  }
0xa1: {  	s22 =	simm.s32 $0x1BFF;
	s21 =	sshll.u32 s6, $0x1;
	s3 =	sadd.s32 s19, s18  }
0xa2: {  	s7 =	simm.s32 $0x0;
	s20 =	sshll.u32 s5, $0x1;
	s5 =	sadd.s32 s21, s3  }
0xa3: {  	[timem:s7], [sflag:s22] =	dma.local [hbm:s5], s20  }
0xa4: {  	_ =	swait.ge [sflag:s22], s20  }
0xa5: {  	s4 =	ssub.s32 $0x0, s20;
	[sflag:s22] =	ssyncset.done $0x0  }
0xa6: {  	[sflag:s22] =	ssyncadd.s32 s4;
	_ =	sdelay $0x1  }
0xa7: {  	s23 =	simm.s32 $0x1B8B  }
0xa8: {  	_ =	swait.ge [sflag:s23], $0x1  }
0xa9: {  	[sflag:s23] =	ssyncset.done $0x0  }
0xaa: {  	s25 =	simm.s32 $0x1B8E;
	s24 =	sld [smem:$0x3FFE];
	[sflag:s23] =	ssyncadd.s32 $0xFFFFFFFF  }
0xab: {  	s26 =	simm.s32 $execute0_lowered;
	[smem:$0x3FD2] =	sst s25  }
0xac: {  	s5 =	sshll.u32 s26, $0x1;
	_ =	strace $0x80000046;
	[dreg:$0x1] =	wrdreg $0xFFFFFFFF  }
0xad: {  	s28 =	simm.s32 $_size_execute0_lowered;
	s3 =	sadd.s32 s3, s5;
	[dreg:$0x0] =	wrdreg $0x0  }
0xae: {  	s5 =	sshll.u32 s28, $0x1;
	[dreg:$0x2] =	wrdreg s3  }
0xaf: {  	[dreg:$0x3] =	wrdreg s5  }
0xb0: {  	[dreg:$0x4] =	wrdreg $0xC0  }
0xb1: {  	_ =	task [dreg:s7], $0x5FFFF  }
0xb2: {  	[dreg:$0x1] =	wrdreg $0xFFFFFFFF  }
0xb3: {  	[dreg:$0x0] =	wrdreg $0x60  }
0xb4: {  	[dreg:$0x2] =	wrdreg s24  }
0xb5: {  	[dreg:$0x3] =	wrdreg s16  }
0xb6: {  	[dreg:$0x4] =	wrdreg $0x9  }
0xb7: {  	_ =	task.clear_ibuf [dreg:s7], $0x5FFFF;
	_ =	strace $0x90000046  }
0xb8: {  	s29 =	simm.s32 $0x9;
	_ =	strace $0x80000048  }
0xb9: {  	_ =	swait.ge [sflag:s29], $0x1  }
0xba: {  	[sflag:s29] =	ssyncadd.s32 $0xFFFFFFFF  }
0xbb: {  	_ =	strace $0x90000048  }
0xbc: {  	_ =	sfence  }
0xbd: {  	s30 =	sld [smem:$0x0];
	_ =	sdelay $0x2  }
0xbe: {  	s31 =	sshll.u32 s1, $0xD;
	s1 =	sshrl.u32 s1, $0x2  }
0xbf: {  	s3 =	sand.u32 $0x4000, s31;
	s1 =	sadd.s32 s1, s30  }
0xc0: {  	s0 =	sor.u32 s3, s0;
	s1 =	sshll.u32 s1, $0x11  }
0xc1: {  	s0 =	sor.u32 s1, s0  }
0xc2: {  	s0 =	sadd.s32 $0x8F2B, s0  }
0xc3: {  	[sflag:s0] =	ssyncadd.remote.s32 $0x1  }
0xc4: {  	_ =	sfence.sel $0xFFFF  }
0xc5: {  	[dreg:$0x0] =	wrdreg $0xFFFFFFFF;
	(pc) =	sbr.abs _section_cstart, $3  }
0xc6: {  	[dreg:$0x1] =	wrdreg $0xFFFFFFFF  }
0xc7: {  	_ =	task.clear_ibuf [dreg:s7], $0x2FFFF;
	_ =	strace $0x9FFFFFFF  }
0xc8: {  	(tm) =	ssettm $0x7FFFFFFF  }
0xc9: {  	_ =	shalt  }
tec
execute0_lowered:
.L_overlay_start_1:
0x0: {  	(tag) =	ssettag $0x1  }
0x1: {  	s1 =	srdreg.scid  }
0x2: {  	s0 =	stileid.u32;
	s17 =	sand.u32 $0x1, s1  }
0x3: {  	s31 =	sshll.u32 s0, $0xD;
	s2 =	sshll.u32 s17, $0xC  }
0x4: {  	s5 =	rddreg [dreg:$0x0];
	s11 =	sor.u32 s2, s31  }
0x5: {  	s10 =	rddreg [dreg:$0x1];
	s2 =	simm.s32 $0x0;
	s3 =	sshrl.u32 s11, $0x3  }
0x6: {  	s4 =	simm.s32 $0x4;
	[smem:$0x7FF] =	sst s2;
	s3 =	sadd.s32 s3, s5  }
0x7: {  	s1 =	rddreg [dreg:$0x2];
	_ =	strace $0x80000047;
	s3 =	sadd.s32 $0xC00, s3  }
0x8: {  	[tilespmem:s2], [sflag:$0x4] =	stream.linear.gather [hbm4b:s3+s2], $0x1000, $0x38;
	[tilespmem:$0x11000] =	vst v63  }
0x9: {  	_ =	swait.ge [sflag:s4], $0x1000  }
0xa: {  	s6 =	simm.s32 $0x400;
	[sflag:s4] =	ssyncset.done $0x0  }
0xb: {  	s7 =	simm.s32 $0x1000;
	s5 =	sadd.s32 $0x400, s5;
	[sflag:s4] =	ssyncadd.s32 $0xFFFFF000  }
0xc: {  	[tilespmem:s7], [sflag:$0x1] =	stream.indirect.gather [hbm4b:s5+s6], $0x20, s2, s6, $0xb8;
	[tilespmem:$0x11000] =	vst v63  }
0xd: {  	s8 =	simm.s32 $0x9000;
	s9 =	simm.s32 $0x1  }
0xe: {  	[tilespmem:s8], [sflag:$0x2] =	stream.indirect.gather [hbm4b:s5+s6], $0x20, s6, s6, $0xb8;
	[tilespmem:$0x11000] =	vst v63  }
0xf: {  	_ =	swait.ge [sflag:s9], $0x8000  }
0x10: {  	s11 =	sshll.u32 s11, $0x2;
	[sflag:s9] =	ssyncset.done $0x0  }
0x11: {  	s11 =	sadd.s32 s10, s11;
	s10 =	simm.s32 $0x3;
	[sflag:s9] =	ssyncadd.s32 $0xFFFF8000  }
0x12: {  	[hbm4b:s11+s2] =	stream.linear.scatter [tilespmem:s7], [sflag:$0x3], $0x8000, $0x38;
	[tilespmem:$0x11000] =	vst v63  }
0x13: {  	_ =	swait.ge [sflag:s10], $0x8000  }
0x14: {  	[sflag:s10] =	ssyncset.done $0x0  }
0x15: {  	s12 =	simm.s32 $0x800;
	s13 =	simm.s32 $0x2;
	[sflag:s10] =	ssyncadd.s32 $0xFFFF8000  }
0x16: {  	[tilespmem:s7], [sflag:$0x1] =	stream.indirect.gather [hbm4b:s5+s6], $0x20, s12, s6, $0xb8;
	[tilespmem:$0x11000] =	vst v63  }
0x17: {  	_ =	swait.ge [sflag:s13], $0x8000  }
0x18: {  	[sflag:s13] =	ssyncset.done $0x0  }
0x19: {  	s14 =	sadd.s32 $0x1000, s11;
	[sflag:s13] =	ssyncadd.s32 $0xFFFF8000  }
0x1a: {  	[hbm4b:s14+s2] =	stream.linear.scatter [tilespmem:s8], [sflag:$0x3], $0x8000, $0x38;
	[tilespmem:$0x11000] =	vst v63  }
0x1b: {  	_ =	swait.ge [sflag:s10], $0x8000  }
0x1c: {  	[sflag:s10] =	ssyncset.done $0x0  }
0x1d: {  	s15 =	simm.s32 $0xC00;
	[sflag:s10] =	ssyncadd.s32 $0xFFFF8000  }
0x1e: {  	[tilespmem:s8], [sflag:$0x2] =	stream.indirect.gather [hbm4b:s5+s6], $0x20, s15, s6, $0xb8;
	[tilespmem:$0x11000] =	vst v63  }
0x1f: {  	_ =	swait.ge [sflag:s9], $0x8000  }
0x20: {  	s18 =	ssub.s32 $0x2, s17;
	[sflag:s9] =	ssyncset.done $0x0  }
0x21: {  	s19 =	sshrl.u32 s18, $0x1;
	s16 =	sadd.s32 $0x2000, s11;
	[sflag:s9] =	ssyncadd.s32 $0xFFFF8000  }
0x22: {  	[hbm4b:s16+s2] =	stream.linear.scatter [tilespmem:s7], [sflag:$0x3], $0x8000, $0x38;
	[tilespmem:$0x11000] =	vst v63  }
0x23: {  	s18 =	ssub.s32 s18, s19;
	_ =	swait.ge [sflag:s13], $0x8000  }
0x24: {  	s18 =	smax.u32 s18, $0x1;
	[sflag:s13] =	ssyncset.done $0x0  }
0x25: {  	s17 =	sadd.s32 $0x3000, s11;
	p0 =	sne.s32 s18, $0x1;
	[sflag:s13] =	ssyncadd.s32 $0xFFFF8000  }
0x26: {  	[hbm4b:s17+s2] =	stream.linear.scatter [tilespmem:s8], [sflag:$0x3], $0x8000, $0x38;
	[tilespmem:$0x11000] =	vst v63  }
.Ltmp0:
0x27: {  	_ =	swait.ge [sflag:s10], $0x8000;
	(pc) =	sbr.rel @!p0 .LBB2_2-.Ltmp0, $4  }
0x28: {  	[sflag:s10] =	ssyncset.done $0x0  }
0x29: {  	[sflag:s10] =	ssyncadd.s32 $0xFFFF8000  }
0x2a: {  	_ =	swait.ge [sflag:s10], $0x8000  }
0x2b: {  	s18 =	sadd.s32 $0xFFFFFFFF, s18;
	[sflag:s10] =	ssyncset.done $0x0  }
.LBB2_1:
0x2c: {  	p0 =	sne.s32 s18, $0x1;
	s18 =	sadd.s32 $0xFFFFFFFF, s18;
	[sflag:s10] =	ssyncadd.s32 $0xFFFF8000  }
0x2d: {  	[tilespmem:s2], [sflag:$0x4] =	stream.linear.gather [hbm4b:s3+s2], $0x1000, $0x38;
	[tilespmem:$0x11000] =	vst v63  }
0x2e: {  	_ =	swait.ge [sflag:s4], $0x1000  }
0x2f: {  	[sflag:s4] =	ssyncset.done $0x0  }
0x30: {  	[sflag:s4] =	ssyncadd.s32 $0xFFFFF000  }
0x31: {  	[tilespmem:s7], [sflag:$0x1] =	stream.indirect.gather [hbm4b:s5+s6], $0x20, s2, s6, $0xb8;
	[tilespmem:$0x11000] =	vst v63  }
0x32: {  	_ = 	snop  }
0x33: {  	[tilespmem:s8], [sflag:$0x2] =	stream.indirect.gather [hbm4b:s5+s6], $0x20, s6, s6, $0xb8;
	[tilespmem:$0x11000] =	vst v63  }
0x34: {  	_ =	swait.ge [sflag:s9], $0x8000  }
0x35: {  	[sflag:s9] =	ssyncset.done $0x0  }
0x36: {  	[sflag:s9] =	ssyncadd.s32 $0xFFFF8000  }
0x37: {  	[hbm4b:s11+s2] =	stream.linear.scatter [tilespmem:s7], [sflag:$0x3], $0x8000, $0x38;
	[tilespmem:$0x11000] =	vst v63  }
0x38: {  	_ =	swait.ge [sflag:s10], $0x8000  }
0x39: {  	[sflag:s10] =	ssyncset.done $0x0  }
0x3a: {  	[sflag:s10] =	ssyncadd.s32 $0xFFFF8000  }
0x3b: {  	[tilespmem:s7], [sflag:$0x1] =	stream.indirect.gather [hbm4b:s5+s6], $0x20, s12, s6, $0xb8;
	[tilespmem:$0x11000] =	vst v63  }
0x3c: {  	_ =	swait.ge [sflag:s13], $0x8000  }
0x3d: {  	[sflag:s13] =	ssyncset.done $0x0  }
0x3e: {  	[sflag:s13] =	ssyncadd.s32 $0xFFFF8000  }
0x3f: {  	[hbm4b:s14+s2] =	stream.linear.scatter [tilespmem:s8], [sflag:$0x3], $0x8000, $0x38;
	[tilespmem:$0x11000] =	vst v63  }
0x40: {  	_ =	swait.ge [sflag:s10], $0x8000  }
0x41: {  	[sflag:s10] =	ssyncset.done $0x0  }
0x42: {  	[sflag:s10] =	ssyncadd.s32 $0xFFFF8000  }
0x43: {  	[tilespmem:s8], [sflag:$0x2] =	stream.indirect.gather [hbm4b:s5+s6], $0x20, s15, s6, $0xb8;
	[tilespmem:$0x11000] =	vst v63  }
0x44: {  	_ =	swait.ge [sflag:s9], $0x8000  }
0x45: {  	[sflag:s9] =	ssyncset.done $0x0  }
0x46: {  	[sflag:s9] =	ssyncadd.s32 $0xFFFF8000  }
0x47: {  	[hbm4b:s16+s2] =	stream.linear.scatter [tilespmem:s7], [sflag:$0x3], $0x8000, $0x38;
	[tilespmem:$0x11000] =	vst v63  }
0x48: {  	_ =	swait.ge [sflag:s13], $0x8000  }
0x49: {  	[sflag:s13] =	ssyncset.done $0x0  }
0x4a: {  	[sflag:s13] =	ssyncadd.s32 $0xFFFF8000  }
0x4b: {  	[hbm4b:s17+s2] =	stream.linear.scatter [tilespmem:s8], [sflag:$0x3], $0x8000, $0x38;
	[tilespmem:$0x11000] =	vst v63  }
.Ltmp1:
0x4c: {  	_ =	swait.ge [sflag:s10], $0x8000;
	(pc) =	sbr.rel @p0 .LBB2_1-.Ltmp1, $4  }
0x4d: {  	[sflag:s10] =	ssyncset.done $0x0  }
0x4e: {  	[sflag:s10] =	ssyncadd.s32 $0xFFFF8000  }
0x4f: {  	_ =	swait.ge [sflag:s10], $0x8000  }
0x50: {  	[sflag:s10] =	ssyncset.done $0x0  }
.LBB2_2:
0x51: {  	[sflag:s10] =	ssyncadd.s32 $0xFFFF8000  }
0x52: {  	_ =	sfence.sel $0x180000  }
0x53: {  	[bflag:$0x0] =	sbarrier.arrive $0xFFFF  }
0x54: {  	p0 =	sne.s32 s0, $0x0;
	_ =	strace $0x90000047  }
0x55: {  	s0 =	sadd.s32 @!p0 $0x100000, s1;
	[bflag:$0x2] =	sbarrier.arrive $0xFFFF  }
0x56: {  	[sflag:s0] =	ssyncadd.tile.s32 @!p0 $0x1;
	_ =	shalt  }
.Lfunc_end2:
_tile_overlayer_lowered:
.L_overlay_start_2:
0x57: {  	(tag) =	ssettag $0x2  }
0x58: {  	s0 =	rddreg [dreg:$0x0];
	s2 =	stileid.u32  }
0x59: {  	s1 =	rddreg [dreg:$0x1];
	p0 =	sne.s32 s2, $0x0  }
0x5a: {  	s3 =	rddreg [dreg:$0x2];
	[bflag:$0x3] =	sbarrier.arrive $0xFFFF;
	s2 =	simm.s32 @!p0 $0x1C04  }
0x5b: {  	[timem:s3], [sflag:s2] =	dma.local @!p0 [hbm:s0], s1  }
0x5c: {  	s0 =	simm.s32 @!p0 $0x4  }
0x5d: {  	_ =	swait.ge @!p0 [sflag:s0], s1  }
0x5e: {  	s1 =	ssub.s32 @!p0 $0x0, s1;
	[sflag:s0] =	ssyncset.done @!p0 $0x0  }
0x5f: {  	[sflag:s0] =	ssyncadd.s32 @!p0 s1  }
0x60: {  	[bflag:$0x3] =	sbarrier.arrive $0xFFFF  }
0x61: {  	_ =	shalt  }

</sc_bundles>
